<compile_context>
chip_gen: v7x
topology: tpu7x:2x2x1
jax: 0.10.2.dev20260603
libtpu: 0.0.44.dev20260713+nightly
codegen_flags: <defaults>
</compile_context>

<pallas_src>
import functools

import jax
import jax.numpy as jnp
from jax import lax
from jax.experimental import pallas as pl
from jax.experimental.pallas import tpu as pltpu
from jax.experimental.pallas import tpu_sc as plsc

_N = 10000
_D = 128
_DH = _D // 2
_E = 320000
_EPS = 1e-5

_NC = 2
_NS = 16
_CHUNK = 128
_CHUNKS = 160
_E_PAD = _NS * _CHUNKS * _CHUNK
_PAD_ROWS = 16
_NP = _N + _PAD_ROWS


def _sc_halves(xh, src, dst, zeros):
    mesh = plsc.VectorSubcoreMesh(core_axis_name="c", subcore_axis_name="s")

    @functools.partial(
        pl.kernel,
        out_type=jax.ShapeDtypeStruct((_NC, _N, _DH), jnp.float32),
        mesh=mesh,
        compiler_params=pltpu.CompilerParams(use_tc_tiling_on_sc=False),
        scratch_types=[
            pltpu.VMEM((_CHUNKS, _CHUNK), jnp.int32),
            pltpu.VMEM((_CHUNKS, _CHUNK), jnp.int32),
            pltpu.VMEM((_CHUNK, _DH), jnp.float32),
            pltpu.VMEM((_CHUNK, _DH), jnp.float32),
            pltpu.VMEM_SHARED((_NP, _DH), jnp.float32),
            pltpu.SemaphoreType.DMA,
            pltpu.SemaphoreType.DMA,
        ],
    )
    def k(x_hbm, src_hbm, dst_hbm, z_hbm, out_hbm,
          src_v, dst_v, buf0, buf1, acc, sem0, sem1):
        c = lax.axis_index("c")
        s = lax.axis_index("s")

        pltpu.sync_copy(src_hbm.at[s], src_v)
        pltpu.sync_copy(dst_hbm.at[s], dst_v)

        @pl.when(s < _NS - 1)
        def _():
            pltpu.sync_copy(z_hbm.at[pl.ds(s * 632, 632)],
                            acc.at[pl.ds(s * 632, 632)])

        @pl.when(s == _NS - 1)
        def _():
            pltpu.sync_copy(z_hbm.at[pl.ds(15 * 632, _NP - 15 * 632)],
                            acc.at[pl.ds(15 * 632, _NP - 15 * 632)])

        plsc.subcore_barrier()
        xc = x_hbm.at[c]

        def body(i, carry):
            j0 = 2 * i
            j1 = j0 + 1
            cp0 = pltpu.async_copy(xc.at[src_v.at[j0]], buf0, sem0)
            cp1 = pltpu.async_copy(xc.at[src_v.at[j1]], buf1, sem1)
            cp0.wait()
            pltpu.sync_copy(buf0, acc.at[dst_v.at[j0]], add=True)
            cp1.wait()
            pltpu.sync_copy(buf1, acc.at[dst_v.at[j1]], add=True)
            return carry

        lax.fori_loop(0, _CHUNKS // 2, body, 0)
        plsc.subcore_barrier()

        @pl.when(s < _NS - 1)
        def _():
            pltpu.sync_copy(acc.at[pl.ds(s * 632, 632)],
                            out_hbm.at[c, pl.ds(s * 632, 632)])

        @pl.when(s == _NS - 1)
        def _():
            pltpu.sync_copy(acc.at[pl.ds(15 * 632, _N - 15 * 632)],
                            out_hbm.at[c, pl.ds(15 * 632, _N - 15 * 632)])

    return k(xh, src, dst, zeros)


def _tc_finish(x, w, parts):
    blk = 1000

    def body(x_ref, w_ref, p0_ref, p1_ref, o_ref):
        h = jnp.dot(x_ref[...], w_ref[...], preferred_element_type=jnp.float32)
        h = h + jnp.concatenate([p0_ref[0], p1_ref[0]], axis=-1)
        mu = jnp.mean(h, axis=-1, keepdims=True)
        d = h - mu
        var = jnp.mean(d * d, axis=-1, keepdims=True)
        o_ref[...] = d * lax.rsqrt(var + _EPS)

    return pl.pallas_call(
        body,
        grid=(_N // blk,),
        in_specs=[
            pl.BlockSpec((blk, _D), lambda i: (i, 0)),
            pl.BlockSpec((_D, _D), lambda i: (0, 0)),
            pl.BlockSpec((1, blk, _DH), lambda i: (0, i, 0)),
            pl.BlockSpec((1, blk, _DH), lambda i: (1, i, 0)),
        ],
        out_specs=pl.BlockSpec((blk, _D), lambda i: (i, 0)),
        out_shape=jax.ShapeDtypeStruct((_N, _D), jnp.float32),
    )(x, w, parts, parts)


def kernel(x, edge_index, loop_weight):
    src = edge_index[0]
    dst = edge_index[1]
    pad = _E_PAD - _E
    ar = jnp.arange(pad, dtype=jnp.int32)
    src_p = jnp.concatenate([src, (ar * 13) % _N]).reshape(_NS, _CHUNKS, _CHUNK)
    dst_p = jnp.concatenate([dst, _N + (ar % _PAD_ROWS)]).reshape(_NS, _CHUNKS, _CHUNK)
    xh = jnp.stack([x[:, :_DH], x[:, _DH:]])
    zeros = jnp.zeros((_NP, _DH), jnp.float32)
    parts = _sc_halves(xh, src_p, dst_p, zeros)
    return _tc_finish(x, loop_weight, parts)

# --- scband reference (transcript-rebuilt; emitter-appended) ---
"""Pipeline reference for scband-rgcnlayer-12180527251901 (READ-ONLY COPY).

The authoritative reference and input builder live on the scoring server;
editing this copy changes nothing except your own understanding.
"""

import jax, jax.numpy as jnp
import numpy as np

N = 10000
E = 320000
D = 128
LN_EPS = 1e-5


def setup_inputs(seed: int = 0) -> dict:
    key = jax.random.key(seed)
    k1, k2, k3 = jax.random.split(key, 3)
    x = jax.random.normal(k1, (N, D), dtype=jnp.float32)
    edge_index = jax.random.randint(k2, (2, E), 0, N, dtype=jnp.int32)
    # xavier_uniform_ with gain=calculate_gain('relu')=sqrt(2)
    gain = np.sqrt(2.0)
    limit = gain * np.sqrt(6.0 / (D + D))
    loop_weight = jax.random.uniform(k3, (D, D), dtype=jnp.float32, minval=-limit, maxval=limit)
    return {"x": x, "edge_index": edge_index, "loop_weight": loop_weight}


def reference(x, edge_index, loop_weight):
    # self-loop message: x @ loop_weight (dropout=0.0 -> identity)
    loop_message = jnp.dot(x, loop_weight)
    # propagate: copy-from-source, sum-reduce onto destination nodes
    # (DGL fn.copy_u('h','m') + fn.sum('m','h') message passing)
    src = edge_index[0]
    dst = edge_index[1]
    msgs = jnp.take(x, src, axis=0)
    h = jax.ops.segment_sum(msgs, dst, num_segments=N)
    # bias=None, skip_connect disabled, prev_h empty branch
    h = h + loop_message
    # LayerNorm(out_feat, elementwise_affine=False)
    mu = jnp.mean(h, axis=-1, keepdims=True)
    var = jnp.var(h, axis=-1, keepdims=True)
    h = (h - mu) / jnp.sqrt(var + LN_EPS)
    # activation is None
    return h

if __name__ == "__main__":
    import jax
    _d = setup_inputs()
    print(jax.jit(kernel)(*tuple(_d.values())))

</pallas_src>

<mosaic_0001>
#map = affine_map<(d0, d1) -> (0, 0, 0)>
#map1 = affine_map<(d0, d1) -> (0, 0)>
module attributes {stable_mosaic.version = 14 : i64} {
  func.func @k(%arg0: i32, %arg1: i32, %arg2: memref<2x10000x64xf32, #tpu.memory_space<hbm>>, %arg3: memref<16x160x128xi32, #tpu.memory_space<hbm>>, %arg4: memref<16x160x128xi32, #tpu.memory_space<hbm>>, %arg5: memref<10016x64xf32, #tpu.memory_space<hbm>>, %arg6: memref<2x10000x64xf32, #tpu.memory_space<hbm>>, %arg7: memref<160x128xi32, #tpu.memory_space<vmem>>, %arg8: memref<160x128xi32, #tpu.memory_space<vmem>>, %arg9: memref<128x64xf32, #tpu.memory_space<vmem>>, %arg10: memref<128x64xf32, #tpu.memory_space<vmem>>, %arg11: memref<10016x64xf32, #tpu.memory_space<vmem_shared>>, %arg12: memref<!tpu.dma_semaphore, #tpu.memory_space<semaphore_mem>>, %arg13: memref<!tpu.dma_semaphore, #tpu.memory_space<semaphore_mem>>) attributes {dimension_semantics = [#tpu.dimension_semantics<core_parallel>, #tpu.dimension_semantics<subcore_parallel>], iteration_bounds = array<i64: 2, 16>, scalar_prefetch = 0 : i64, scratch_operands = 7 : i64, tpu.core_type = #tpu.core_type<sc_vector_subcore>, window_params = [{transform_indices = #map}, {transform_indices = #map}, {transform_indices = #map}, {transform_indices = #map1}, {transform_indices = #map}]} {
    "tpu.region"() ({
      %run_scoped3A = tpu.sem_alloc : memref<!tpu.dma_semaphore, #tpu.memory_space<semaphore_mem>>
      %dma_start3A = arith.constant 0 : i32
      %dma_start3A_22 = arith.constant 0 : i32
      %dma_start3A_23 = tpu.memref_slice %arg3[%arg1, %dma_start3A, %dma_start3A_22] : memref<16x160x128xi32, #tpu.memory_space<hbm>> -> memref<1x160x128xi32, #tpu.memory_space<hbm>>
      %dma_start3A_24 = tpu.memref_squeeze %dma_start3A_23 : memref<1x160x128xi32, #tpu.memory_space<hbm>> -> memref<160x128xi32, #tpu.memory_space<hbm>>
      %dma_start3A_25 = arith.constant 0 : i32
      %dma_start3A_26 = arith.constant 0 : i32
      %dma_start3A_27 = tpu.memref_slice %arg3[%arg1, %dma_start3A_25, %dma_start3A_26] : memref<16x160x128xi32, #tpu.memory_space<hbm>> -> memref<1x160x128xi32, #tpu.memory_space<hbm>>
      %dma_start3A_28 = tpu.memref_squeeze %dma_start3A_27 : memref<1x160x128xi32, #tpu.memory_space<hbm>> -> memref<160x128xi32, #tpu.memory_space<hbm>>
      tpu.enqueue_dma source(%dma_start3A_28 : memref<160x128xi32, #tpu.memory_space<hbm>>) target(%arg7 : memref<160x128xi32, #tpu.memory_space<vmem>>) target_semaphore(%run_scoped3A : memref<!tpu.dma_semaphore, #tpu.memory_space<semaphore_mem>>)
      %dma_wait3A = arith.constant 0 : i32
      %dma_wait3A_29 = arith.constant 0 : i32
      %dma_wait3A_30 = tpu.memref_slice %arg3[%arg1, %dma_wait3A, %dma_wait3A_29] : memref<16x160x128xi32, #tpu.memory_space<hbm>> -> memref<1x160x128xi32, #tpu.memory_space<hbm>>
      %dma_wait3A_31 = tpu.memref_squeeze %dma_wait3A_30 : memref<1x160x128xi32, #tpu.memory_space<hbm>> -> memref<160x128xi32, #tpu.memory_space<hbm>>
      %dma_wait3A_32 = arith.constant 0 : i32
      %dma_wait3A_33 = arith.constant 0 : i32
      %dma_wait3A_34 = tpu.memref_slice %arg3[%arg1, %dma_wait3A_32, %dma_wait3A_33] : memref<16x160x128xi32, #tpu.memory_space<hbm>> -> memref<1x160x128xi32, #tpu.memory_space<hbm>>
      %dma_wait3A_35 = tpu.memref_squeeze %dma_wait3A_34 : memref<1x160x128xi32, #tpu.memory_space<hbm>> -> memref<160x128xi32, #tpu.memory_space<hbm>>
      tpu.wait_dma2 semaphore(%run_scoped3A : memref<!tpu.dma_semaphore, #tpu.memory_space<semaphore_mem>>) src(%dma_wait3A_35 : memref<160x128xi32, #tpu.memory_space<hbm>>) dst(%arg7 : memref<160x128xi32, #tpu.memory_space<vmem>>)
      tpu.yield
    }) : () -> ()
    "tpu.region"() ({
      %run_scoped3A = tpu.sem_alloc : memref<!tpu.dma_semaphore, #tpu.memory_space<semaphore_mem>>
      %dma_start3A = arith.constant 0 : i32
      %dma_start3A_22 = arith.constant 0 : i32
      %dma_start3A_23 = tpu.memref_slice %arg4[%arg1, %dma_start3A, %dma_start3A_22] : memref<16x160x128xi32, #tpu.memory_space<hbm>> -> memref<1x160x128xi32, #tpu.memory_space<hbm>>
      %dma_start3A_24 = tpu.memref_squeeze %dma_start3A_23 : memref<1x160x128xi32, #tpu.memory_space<hbm>> -> memref<160x128xi32, #tpu.memory_space<hbm>>
      %dma_start3A_25 = arith.constant 0 : i32
      %dma_start3A_26 = arith.constant 0 : i32
      %dma_start3A_27 = tpu.memref_slice %arg4[%arg1, %dma_start3A_25, %dma_start3A_26] : memref<16x160x128xi32, #tpu.memory_space<hbm>> -> memref<1x160x128xi32, #tpu.memory_space<hbm>>
      %dma_start3A_28 = tpu.memref_squeeze %dma_start3A_27 : memref<1x160x128xi32, #tpu.memory_space<hbm>> -> memref<160x128xi32, #tpu.memory_space<hbm>>
      tpu.enqueue_dma source(%dma_start3A_28 : memref<160x128xi32, #tpu.memory_space<hbm>>) target(%arg8 : memref<160x128xi32, #tpu.memory_space<vmem>>) target_semaphore(%run_scoped3A : memref<!tpu.dma_semaphore, #tpu.memory_space<semaphore_mem>>)
      %dma_wait3A = arith.constant 0 : i32
      %dma_wait3A_29 = arith.constant 0 : i32
      %dma_wait3A_30 = tpu.memref_slice %arg4[%arg1, %dma_wait3A, %dma_wait3A_29] : memref<16x160x128xi32, #tpu.memory_space<hbm>> -> memref<1x160x128xi32, #tpu.memory_space<hbm>>
      %dma_wait3A_31 = tpu.memref_squeeze %dma_wait3A_30 : memref<1x160x128xi32, #tpu.memory_space<hbm>> -> memref<160x128xi32, #tpu.memory_space<hbm>>
      %dma_wait3A_32 = arith.constant 0 : i32
      %dma_wait3A_33 = arith.constant 0 : i32
      %dma_wait3A_34 = tpu.memref_slice %arg4[%arg1, %dma_wait3A_32, %dma_wait3A_33] : memref<16x160x128xi32, #tpu.memory_space<hbm>> -> memref<1x160x128xi32, #tpu.memory_space<hbm>>
      %dma_wait3A_35 = tpu.memref_squeeze %dma_wait3A_34 : memref<1x160x128xi32, #tpu.memory_space<hbm>> -> memref<160x128xi32, #tpu.memory_space<hbm>>
      tpu.wait_dma2 semaphore(%run_scoped3A : memref<!tpu.dma_semaphore, #tpu.memory_space<semaphore_mem>>) src(%dma_wait3A_35 : memref<160x128xi32, #tpu.memory_space<hbm>>) dst(%arg8 : memref<160x128xi32, #tpu.memory_space<vmem>>)
      tpu.yield
    }) : () -> ()
    %lt3A = arith.constant 15 : i32
    %lt3A_0 = arith.cmpi slt, %arg1, %lt3A : i32
    %convert_element_type3A = arith.extui %lt3A_0 : i1 to i32
    %cond3A = arith.constant 0 : i32
    %cond3A_1 = arith.cmpi ne, %convert_element_type3A, %cond3A : i32
    scf.if %cond3A_1 {
      %mul3A = arith.constant 632 : i32
      %mul3A_22 = arith.muli %arg1, %mul3A : i32
      %mul3A_23 = arith.constant 632 : i32
      %mul3A_24 = arith.muli %arg1, %mul3A_23 : i32
      "tpu.region"() ({
        %run_scoped3A = tpu.sem_alloc : memref<!tpu.dma_semaphore, #tpu.memory_space<semaphore_mem>>
        %dma_start3A = arith.constant 0 : i32
        %dma_start3A_25 = tpu.memref_slice %arg11[%mul3A_24, %dma_start3A] : memref<10016x64xf32, #tpu.memory_space<vmem_shared>> -> memref<632x64xf32, #tpu.memory_space<vmem_shared>>
        %dma_start3A_26 = arith.constant 0 : i32
        %dma_start3A_27 = tpu.memref_slice %arg5[%mul3A_22, %dma_start3A_26] : memref<10016x64xf32, #tpu.memory_space<hbm>> -> memref<632x64xf32, #tpu.memory_space<hbm>>
        tpu.enqueue_dma source(%dma_start3A_27 : memref<632x64xf32, #tpu.memory_space<hbm>>) target(%dma_start3A_25 : memref<632x64xf32, #tpu.memory_space<vmem_shared>>) target_semaphore(%run_scoped3A : memref<!tpu.dma_semaphore, #tpu.memory_space<semaphore_mem>>)
        %dma_wait3A = arith.constant 0 : i32
        %dma_wait3A_28 = tpu.memref_slice %arg11[%mul3A_24, %dma_wait3A] : memref<10016x64xf32, #tpu.memory_space<vmem_shared>> -> memref<632x64xf32, #tpu.memory_space<vmem_shared>>
        %dma_wait3A_29 = arith.constant 0 : i32
        %dma_wait3A_30 = tpu.memref_slice %arg5[%mul3A_22, %dma_wait3A_29] : memref<10016x64xf32, #tpu.memory_space<hbm>> -> memref<632x64xf32, #tpu.memory_space<hbm>>
        tpu.wait_dma2 semaphore(%run_scoped3A : memref<!tpu.dma_semaphore, #tpu.memory_space<semaphore_mem>>) src(%dma_wait3A_30 : memref<632x64xf32, #tpu.memory_space<hbm>>) dst(%dma_wait3A_28 : memref<632x64xf32, #tpu.memory_space<vmem_shared>>)
        tpu.yield
      }) : () -> ()
    } else {
    }
    %eq3A = arith.constant 15 : i32
    %eq3A_2 = arith.cmpi eq, %arg1, %eq3A : i32
    %convert_element_type3A_3 = arith.extui %eq3A_2 : i1 to i32
    %cond3A_4 = arith.constant 0 : i32
    %cond3A_5 = arith.cmpi ne, %convert_element_type3A_3, %cond3A_4 : i32
    scf.if %cond3A_5 {
      "tpu.region"() ({
        %run_scoped3A = tpu.sem_alloc : memref<!tpu.dma_semaphore, #tpu.memory_space<semaphore_mem>>
        %dma_start3A = arith.constant 9480 : i32
        %dma_start3A_22 = arith.constant 0 : i32
        %dma_start3A_23 = tpu.memref_slice %arg11[%dma_start3A, %dma_start3A_22] : memref<10016x64xf32, #tpu.memory_space<vmem_shared>> -> memref<536x64xf32, #tpu.memory_space<vmem_shared>>
        %dma_start3A_24 = arith.constant 9480 : i32
        %dma_start3A_25 = arith.constant 0 : i32
        %dma_start3A_26 = tpu.memref_slice %arg5[%dma_start3A_24, %dma_start3A_25] : memref<10016x64xf32, #tpu.memory_space<hbm>> -> memref<536x64xf32, #tpu.memory_space<hbm>>
        tpu.enqueue_dma source(%dma_start3A_26 : memref<536x64xf32, #tpu.memory_space<hbm>>) target(%dma_start3A_23 : memref<536x64xf32, #tpu.memory_space<vmem_shared>>) target_semaphore(%run_scoped3A : memref<!tpu.dma_semaphore, #tpu.memory_space<semaphore_mem>>)
        %dma_wait3A = arith.constant 9480 : i32
        %dma_wait3A_27 = arith.constant 0 : i32
        %dma_wait3A_28 = tpu.memref_slice %arg11[%dma_wait3A, %dma_wait3A_27] : memref<10016x64xf32, #tpu.memory_space<vmem_shared>> -> memref<536x64xf32, #tpu.memory_space<vmem_shared>>
        %dma_wait3A_29 = arith.constant 9480 : i32
        %dma_wait3A_30 = arith.constant 0 : i32
        %dma_wait3A_31 = tpu.memref_slice %arg5[%dma_wait3A_29, %dma_wait3A_30] : memref<10016x64xf32, #tpu.memory_space<hbm>> -> memref<536x64xf32, #tpu.memory_space<hbm>>
        tpu.wait_dma2 semaphore(%run_scoped3A : memref<!tpu.dma_semaphore, #tpu.memory_space<semaphore_mem>>) src(%dma_wait3A_31 : memref<536x64xf32, #tpu.memory_space<hbm>>) dst(%dma_wait3A_28 : memref<536x64xf32, #tpu.memory_space<vmem_shared>>)
        tpu.yield
      }) : () -> ()
    } else {
    }
    %barrier3A = arith.constant 0 : index
    tpu.barrier barrier_id(%barrier3A)
    %scan3A = arith.constant 0 : i32
    %scan3A_6 = arith.constant 0 : i32
    %scan3A_7 = arith.constant 80 : i32
    %scan3A_8 = arith.addi %scan3A_6, %scan3A_7 : i32
    %scan3A_9 = arith.constant 1 : i32
    scf.for %scan3A_22 = %scan3A_6 to %scan3A_8 step %scan3A_9  : i32 {
      %mul3A = arith.constant 2 : i32
      %mul3A_23 = arith.muli %mul3A, %scan3A_22 : i32
      %add3A = arith.constant 1 : i32
      %add3A_24 = arith.addi %mul3A_23, %add3A : i32
      %dma_start3A = arith.constant 0 : i32
      %dma_start3A_25 = tpu.memref_slice %arg7[%mul3A_23, %dma_start3A] : memref<160x128xi32, #tpu.memory_space<vmem>> -> memref<1x128xi32, #tpu.memory_space<vmem>>
      %dma_start3A_26 = tpu.memref_squeeze %dma_start3A_25 : memref<1x128xi32, #tpu.memory_space<vmem>> -> memref<128xi32, #tpu.memory_space<vmem>>
      %dma_start3A_27 = arith.constant 0 : i32
      %dma_start3A_28 = arith.constant 0 : i32
      %dma_start3A_29 = tpu.memref_slice %arg2[%arg0, %dma_start3A_27, %dma_start3A_28] : memref<2x10000x64xf32, #tpu.memory_space<hbm>> -> memref<1x10000x64xf32, #tpu.memory_space<hbm>>
      %dma_start3A_30 = tpu.memref_squeeze %dma_start3A_29 : memref<1x10000x64xf32, #tpu.memory_space<hbm>> -> memref<10000x64xf32, #tpu.memory_space<hbm>>
      %dma_start3A_31 = arith.constant 0 : i32
      %dma_start3A_32 = arith.constant 0 : i32
      %dma_start3A_33 = tpu.memref_slice %dma_start3A_30[%dma_start3A_31, %dma_start3A_32] : memref<10000x64xf32, #tpu.memory_space<hbm>> -> memref<10000x64xf32, #tpu.memory_space<hbm>>
      tpu.enqueue_indirect_dma source(%dma_start3A_33 : memref<10000x64xf32, #tpu.memory_space<hbm>>) target(%arg9 : memref<128x64xf32, #tpu.memory_space<vmem>>) offsets(%dma_start3A_26 : memref<128xi32, #tpu.memory_space<vmem>>) semaphore(%arg12 : memref<!tpu.dma_semaphore, #tpu.memory_space<semaphore_mem>>)
      %dma_start3A_34 = arith.constant 0 : i32
      %dma_start3A_35 = tpu.memref_slice %arg7[%add3A_24, %dma_start3A_34] : memref<160x128xi32, #tpu.memory_space<vmem>> -> memref<1x128xi32, #tpu.memory_space<vmem>>
      %dma_start3A_36 = tpu.memref_squeeze %dma_start3A_35 : memref<1x128xi32, #tpu.memory_space<vmem>> -> memref<128xi32, #tpu.memory_space<vmem>>
      %dma_start3A_37 = arith.constant 0 : i32
      %dma_start3A_38 = arith.constant 0 : i32
      %dma_start3A_39 = tpu.memref_slice %arg2[%arg0, %dma_start3A_37, %dma_start3A_38] : memref<2x10000x64xf32, #tpu.memory_space<hbm>> -> memref<1x10000x64xf32, #tpu.memory_space<hbm>>
      %dma_start3A_40 = tpu.memref_squeeze %dma_start3A_39 : memref<1x10000x64xf32, #tpu.memory_space<hbm>> -> memref<10000x64xf32, #tpu.memory_space<hbm>>
      %dma_start3A_41 = arith.constant 0 : i32
      %dma_start3A_42 = arith.constant 0 : i32
      %dma_start3A_43 = tpu.memref_slice %dma_start3A_40[%dma_start3A_41, %dma_start3A_42] : memref<10000x64xf32, #tpu.memory_space<hbm>> -> memref<10000x64xf32, #tpu.memory_space<hbm>>
      tpu.enqueue_indirect_dma source(%dma_start3A_43 : memref<10000x64xf32, #tpu.memory_space<hbm>>) target(%arg10 : memref<128x64xf32, #tpu.memory_space<vmem>>) offsets(%dma_start3A_36 : memref<128xi32, #tpu.memory_space<vmem>>) semaphore(%arg13 : memref<!tpu.dma_semaphore, #tpu.memory_space<semaphore_mem>>)
      %dma_wait3A = arith.constant 0 : i32
      %dma_wait3A_44 = tpu.memref_slice %arg7[%mul3A_23, %dma_wait3A] : memref<160x128xi32, #tpu.memory_space<vmem>> -> memref<1x128xi32, #tpu.memory_space<vmem>>
      %dma_wait3A_45 = tpu.memref_squeeze %dma_wait3A_44 : memref<1x128xi32, #tpu.memory_space<vmem>> -> memref<128xi32, #tpu.memory_space<vmem>>
      %dma_wait3A_46 = arith.constant 0 : i32
      %dma_wait3A_47 = arith.constant 0 : i32
      %dma_wait3A_48 = tpu.memref_slice %arg2[%arg0, %dma_wait3A_46, %dma_wait3A_47] : memref<2x10000x64xf32, #tpu.memory_space<hbm>> -> memref<1x10000x64xf32, #tpu.memory_space<hbm>>
      %dma_wait3A_49 = tpu.memref_squeeze %dma_wait3A_48 : memref<1x10000x64xf32, #tpu.memory_space<hbm>> -> memref<10000x64xf32, #tpu.memory_space<hbm>>
      %dma_wait3A_50 = arith.constant 0 : i32
      %dma_wait3A_51 = arith.constant 0 : i32
      %dma_wait3A_52 = tpu.memref_slice %dma_wait3A_49[%dma_wait3A_50, %dma_wait3A_51] : memref<10000x64xf32, #tpu.memory_space<hbm>> -> memref<10000x64xf32, #tpu.memory_space<hbm>>
      tpu.wait_indirect_dma semaphore(%arg12 : memref<!tpu.dma_semaphore, #tpu.memory_space<semaphore_mem>>) src(%dma_wait3A_52 : memref<10000x64xf32, #tpu.memory_space<hbm>>) dst(%arg9 : memref<128x64xf32, #tpu.memory_space<vmem>>)
      "tpu.region"() ({
        %run_scoped3A = tpu.sem_alloc : memref<!tpu.dma_semaphore, #tpu.memory_space<semaphore_mem>>
        %dma_start3A_63 = arith.constant 0 : i32
        %dma_start3A_64 = tpu.memref_slice %arg8[%mul3A_23, %dma_start3A_63] : memref<160x128xi32, #tpu.memory_space<vmem>> -> memref<1x128xi32, #tpu.memory_space<vmem>>
        %dma_start3A_65 = tpu.memref_squeeze %dma_start3A_64 : memref<1x128xi32, #tpu.memory_space<vmem>> -> memref<128xi32, #tpu.memory_space<vmem>>
        %dma_start3A_66 = arith.constant 0 : i32
        %dma_start3A_67 = arith.constant 0 : i32
        %dma_start3A_68 = tpu.memref_slice %arg11[%dma_start3A_66, %dma_start3A_67] : memref<10016x64xf32, #tpu.memory_space<vmem_shared>> -> memref<10016x64xf32, #tpu.memory_space<vmem_shared>>
        tpu.enqueue_indirect_dma source(%arg9 : memref<128x64xf32, #tpu.memory_space<vmem>>) target(%dma_start3A_68 : memref<10016x64xf32, #tpu.memory_space<vmem_shared>>) offsets(%dma_start3A_65 : memref<128xi32, #tpu.memory_space<vmem>>) semaphore(%run_scoped3A : memref<!tpu.dma_semaphore, #tpu.memory_space<semaphore_mem>>) {add = true}
        %dma_wait3A_69 = arith.constant 0 : i32
        %dma_wait3A_70 = tpu.memref_slice %arg8[%mul3A_23, %dma_wait3A_69] : memref<160x128xi32, #tpu.memory_space<vmem>> -> memref<1x128xi32, #tpu.memory_space<vmem>>
        %dma_wait3A_71 = tpu.memref_squeeze %dma_wait3A_70 : memref<1x128xi32, #tpu.memory_space<vmem>> -> memref<128xi32, #tpu.memory_space<vmem>>
        %dma_wait3A_72 = arith.constant 0 : i32
        %dma_wait3A_73 = arith.constant 0 : i32
        %dma_wait3A_74 = tpu.memref_slice %arg11[%dma_wait3A_72, %dma_wait3A_73] : memref<10016x64xf32, #tpu.memory_space<vmem_shared>> -> memref<10016x64xf32, #tpu.memory_space<vmem_shared>>
        tpu.wait_indirect_dma semaphore(%run_scoped3A : memref<!tpu.dma_semaphore, #tpu.memory_space<semaphore_mem>>) src(%arg9 : memref<128x64xf32, #tpu.memory_space<vmem>>) dst(%dma_wait3A_74 : memref<10016x64xf32, #tpu.memory_space<vmem_shared>>)
        tpu.yield
      }) : () -> ()
      %dma_wait3A_53 = arith.constant 0 : i32
      %dma_wait3A_54 = tpu.memref_slice %arg7[%add3A_24, %dma_wait3A_53] : memref<160x128xi32, #tpu.memory_space<vmem>> -> memref<1x128xi32, #tpu.memory_space<vmem>>
      %dma_wait3A_55 = tpu.memref_squeeze %dma_wait3A_54 : memref<1x128xi32, #tpu.memory_space<vmem>> -> memref<128xi32, #tpu.memory_space<vmem>>
      %dma_wait3A_56 = arith.constant 0 : i32
      %dma_wait3A_57 = arith.constant 0 : i32
      %dma_wait3A_58 = tpu.memref_slice %arg2[%arg0, %dma_wait3A_56, %dma_wait3A_57] : memref<2x10000x64xf32, #tpu.memory_space<hbm>> -> memref<1x10000x64xf32, #tpu.memory_space<hbm>>
      %dma_wait3A_59 = tpu.memref_squeeze %dma_wait3A_58 : memref<1x10000x64xf32, #tpu.memory_space<hbm>> -> memref<10000x64xf32, #tpu.memory_space<hbm>>
      %dma_wait3A_60 = arith.constant 0 : i32
      %dma_wait3A_61 = arith.constant 0 : i32
      %dma_wait3A_62 = tpu.memref_slice %dma_wait3A_59[%dma_wait3A_60, %dma_wait3A_61] : memref<10000x64xf32, #tpu.memory_space<hbm>> -> memref<10000x64xf32, #tpu.memory_space<hbm>>
      tpu.wait_indirect_dma semaphore(%arg13 : memref<!tpu.dma_semaphore, #tpu.memory_space<semaphore_mem>>) src(%dma_wait3A_62 : memref<10000x64xf32, #tpu.memory_space<hbm>>) dst(%arg10 : memref<128x64xf32, #tpu.memory_space<vmem>>)
      "tpu.region"() ({
        %run_scoped3A = tpu.sem_alloc : memref<!tpu.dma_semaphore, #tpu.memory_space<semaphore_mem>>
        %dma_start3A_63 = arith.constant 0 : i32
        %dma_start3A_64 = tpu.memref_slice %arg8[%add3A_24, %dma_start3A_63] : memref<160x128xi32, #tpu.memory_space<vmem>> -> memref<1x128xi32, #tpu.memory_space<vmem>>
        %dma_start3A_65 = tpu.memref_squeeze %dma_start3A_64 : memref<1x128xi32, #tpu.memory_space<vmem>> -> memref<128xi32, #tpu.memory_space<vmem>>
        %dma_start3A_66 = arith.constant 0 : i32
        %dma_start3A_67 = arith.constant 0 : i32
        %dma_start3A_68 = tpu.memref_slice %arg11[%dma_start3A_66, %dma_start3A_67] : memref<10016x64xf32, #tpu.memory_space<vmem_shared>> -> memref<10016x64xf32, #tpu.memory_space<vmem_shared>>
        tpu.enqueue_indirect_dma source(%arg10 : memref<128x64xf32, #tpu.memory_space<vmem>>) target(%dma_start3A_68 : memref<10016x64xf32, #tpu.memory_space<vmem_shared>>) offsets(%dma_start3A_65 : memref<128xi32, #tpu.memory_space<vmem>>) semaphore(%run_scoped3A : memref<!tpu.dma_semaphore, #tpu.memory_space<semaphore_mem>>) {add = true}
        %dma_wait3A_69 = arith.constant 0 : i32
        %dma_wait3A_70 = tpu.memref_slice %arg8[%add3A_24, %dma_wait3A_69] : memref<160x128xi32, #tpu.memory_space<vmem>> -> memref<1x128xi32, #tpu.memory_space<vmem>>
        %dma_wait3A_71 = tpu.memref_squeeze %dma_wait3A_70 : memref<1x128xi32, #tpu.memory_space<vmem>> -> memref<128xi32, #tpu.memory_space<vmem>>
        %dma_wait3A_72 = arith.constant 0 : i32
        %dma_wait3A_73 = arith.constant 0 : i32
        %dma_wait3A_74 = tpu.memref_slice %arg11[%dma_wait3A_72, %dma_wait3A_73] : memref<10016x64xf32, #tpu.memory_space<vmem_shared>> -> memref<10016x64xf32, #tpu.memory_space<vmem_shared>>
        tpu.wait_indirect_dma semaphore(%run_scoped3A : memref<!tpu.dma_semaphore, #tpu.memory_space<semaphore_mem>>) src(%arg10 : memref<128x64xf32, #tpu.memory_space<vmem>>) dst(%dma_wait3A_74 : memref<10016x64xf32, #tpu.memory_space<vmem_shared>>)
        tpu.yield
      }) : () -> ()
    }
    %scan3A_10 = arith.constant 80 : i32
    %barrier3A_11 = arith.constant 0 : index
    tpu.barrier barrier_id(%barrier3A_11)
    %lt3A_12 = arith.constant 15 : i32
    %lt3A_13 = arith.cmpi slt, %arg1, %lt3A_12 : i32
    %convert_element_type3A_14 = arith.extui %lt3A_13 : i1 to i32
    %cond3A_15 = arith.constant 0 : i32
    %cond3A_16 = arith.cmpi ne, %convert_element_type3A_14, %cond3A_15 : i32
    scf.if %cond3A_16 {
      %mul3A = arith.constant 632 : i32
      %mul3A_22 = arith.muli %arg1, %mul3A : i32
      %mul3A_23 = arith.constant 632 : i32
      %mul3A_24 = arith.muli %arg1, %mul3A_23 : i32
      "tpu.region"() ({
        %run_scoped3A = tpu.sem_alloc : memref<!tpu.dma_semaphore, #tpu.memory_space<semaphore_mem>>
        %dma_start3A = arith.constant 0 : i32
        %dma_start3A_25 = tpu.memref_slice %arg6[%arg0, %mul3A_24, %dma_start3A] : memref<2x10000x64xf32, #tpu.memory_space<hbm>> -> memref<1x632x64xf32, #tpu.memory_space<hbm>>
        %dma_start3A_26 = tpu.memref_squeeze %dma_start3A_25 : memref<1x632x64xf32, #tpu.memory_space<hbm>> -> memref<632x64xf32, #tpu.memory_space<hbm>>
        %dma_start3A_27 = arith.constant 0 : i32
        %dma_start3A_28 = tpu.memref_slice %arg11[%mul3A_22, %dma_start3A_27] : memref<10016x64xf32, #tpu.memory_space<vmem_shared>> -> memref<632x64xf32, #tpu.memory_space<vmem_shared>>
        tpu.enqueue_dma source(%dma_start3A_28 : memref<632x64xf32, #tpu.memory_space<vmem_shared>>) target(%dma_start3A_26 : memref<632x64xf32, #tpu.memory_space<hbm>>) target_semaphore(%run_scoped3A : memref<!tpu.dma_semaphore, #tpu.memory_space<semaphore_mem>>)
        %dma_wait3A = arith.constant 0 : i32
        %dma_wait3A_29 = tpu.memref_slice %arg6[%arg0, %mul3A_24, %dma_wait3A] : memref<2x10000x64xf32, #tpu.memory_space<hbm>> -> memref<1x632x64xf32, #tpu.memory_space<hbm>>
        %dma_wait3A_30 = tpu.memref_squeeze %dma_wait3A_29 : memref<1x632x64xf32, #tpu.memory_space<hbm>> -> memref<632x64xf32, #tpu.memory_space<hbm>>
        %dma_wait3A_31 = arith.constant 0 : i32
        %dma_wait3A_32 = tpu.memref_slice %arg11[%mul3A_22, %dma_wait3A_31] : memref<10016x64xf32, #tpu.memory_space<vmem_shared>> -> memref<632x64xf32, #tpu.memory_space<vmem_shared>>
        tpu.wait_dma2 semaphore(%run_scoped3A : memref<!tpu.dma_semaphore, #tpu.memory_space<semaphore_mem>>) src(%dma_wait3A_32 : memref<632x64xf32, #tpu.memory_space<vmem_shared>>) dst(%dma_wait3A_30 : memref<632x64xf32, #tpu.memory_space<hbm>>)
        tpu.yield
      }) : () -> ()
    } else {
    }
    %eq3A_17 = arith.constant 15 : i32
    %eq3A_18 = arith.cmpi eq, %arg1, %eq3A_17 : i32
    %convert_element_type3A_19 = arith.extui %eq3A_18 : i1 to i32
    %cond3A_20 = arith.constant 0 : i32
    %cond3A_21 = arith.cmpi ne, %convert_element_type3A_19, %cond3A_20 : i32
    scf.if %cond3A_21 {
      "tpu.region"() ({
        %run_scoped3A = tpu.sem_alloc : memref<!tpu.dma_semaphore, #tpu.memory_space<semaphore_mem>>
        %dma_start3A = arith.constant 9480 : i32
        %dma_start3A_22 = arith.constant 0 : i32
        %dma_start3A_23 = tpu.memref_slice %arg6[%arg0, %dma_start3A, %dma_start3A_22] : memref<2x10000x64xf32, #tpu.memory_space<hbm>> -> memref<1x520x64xf32, #tpu.memory_space<hbm>>
        %dma_start3A_24 = tpu.memref_squeeze %dma_start3A_23 : memref<1x520x64xf32, #tpu.memory_space<hbm>> -> memref<520x64xf32, #tpu.memory_space<hbm>>
        %dma_start3A_25 = arith.constant 9480 : i32
        %dma_start3A_26 = arith.constant 0 : i32
        %dma_start3A_27 = tpu.memref_slice %arg11[%dma_start3A_25, %dma_start3A_26] : memref<10016x64xf32, #tpu.memory_space<vmem_shared>> -> memref<520x64xf32, #tpu.memory_space<vmem_shared>>
        tpu.enqueue_dma source(%dma_start3A_27 : memref<520x64xf32, #tpu.memory_space<vmem_shared>>) target(%dma_start3A_24 : memref<520x64xf32, #tpu.memory_space<hbm>>) target_semaphore(%run_scoped3A : memref<!tpu.dma_semaphore, #tpu.memory_space<semaphore_mem>>)
        %dma_wait3A = arith.constant 9480 : i32
        %dma_wait3A_28 = arith.constant 0 : i32
        %dma_wait3A_29 = tpu.memref_slice %arg6[%arg0, %dma_wait3A, %dma_wait3A_28] : memref<2x10000x64xf32, #tpu.memory_space<hbm>> -> memref<1x520x64xf32, #tpu.memory_space<hbm>>
        %dma_wait3A_30 = tpu.memref_squeeze %dma_wait3A_29 : memref<1x520x64xf32, #tpu.memory_space<hbm>> -> memref<520x64xf32, #tpu.memory_space<hbm>>
        %dma_wait3A_31 = arith.constant 9480 : i32
        %dma_wait3A_32 = arith.constant 0 : i32
        %dma_wait3A_33 = tpu.memref_slice %arg11[%dma_wait3A_31, %dma_wait3A_32] : memref<10016x64xf32, #tpu.memory_space<vmem_shared>> -> memref<520x64xf32, #tpu.memory_space<vmem_shared>>
        tpu.wait_dma2 semaphore(%run_scoped3A : memref<!tpu.dma_semaphore, #tpu.memory_space<semaphore_mem>>) src(%dma_wait3A_33 : memref<520x64xf32, #tpu.memory_space<vmem_shared>>) dst(%dma_wait3A_30 : memref<520x64xf32, #tpu.memory_space<hbm>>)
        tpu.yield
      }) : () -> ()
    } else {
    }
    return
  }
}

module attributes {stable_mosaic.version = 14 : i64} {
  func.func @body(%arg0: i32, %arg1: memref<1000x128xf32, #tpu.memory_space<vmem>>, %arg2: memref<128x128xf32, #tpu.memory_space<vmem>>, %arg3: memref<1x1000x64xf32, #tpu.memory_space<vmem>>, %arg4: memref<1x1000x64xf32, #tpu.memory_space<vmem>>, %arg5: memref<1000x128xf32, #tpu.memory_space<vmem>>) attributes {dimension_semantics = [#tpu.dimension_semantics<arbitrary>], iteration_bounds = array<i64: 10>, scalar_prefetch = 0 : i64, scratch_operands = 0 : i64, tpu.core_type = #tpu.core_type<tc>, window_params = [{transform_indices = @transform_0, window_bounds = array<i64: 1000, 128>}, {pipeline_mode = #tpu.pipeline_mode<synchronous>, transform_indices = @transform_1, window_bounds = array<i64: 128, 128>}, {transform_indices = @transform_2, window_bounds = array<i64: 1, 1000, 64>}, {transform_indices = @transform_3, window_bounds = array<i64: 1, 1000, 64>}, {transform_indices = @transform_4, window_bounds = array<i64: 1000, 128>}]} {
    %get3A = arith.constant 0 : index
    %get3A_0 = arith.constant 0 : index
    %get3A_1 = vector.load %arg1[%get3A, %get3A_0] : memref<1000x128xf32, #tpu.memory_space<vmem>>, vector<1000x128xf32>
    %get3A_2 = arith.constant 0 : index
    %get3A_3 = arith.constant 0 : index
    %get3A_4 = vector.load %arg2[%get3A_2, %get3A_3] : memref<128x128xf32, #tpu.memory_space<vmem>>, vector<128x128xf32>
    %dot_general3A = arith.constant dense<0.000000e+00> : vector<1000x128xf32>
    %dot_general3A_5 = tpu.matmul %get3A_1, %get3A_4, %dot_general3A {dimension_numbers = #tpu.dot_dimension_numbers<[1], [0], [0], [1], [0, 0, 1, 1], [], []>, transpose_lhs_hint = false} : vector<1000x128xf32>, vector<128x128xf32>, vector<1000x128xf32> -> vector<1000x128xf32>
    %get3A_6 = arith.constant 0 : index
    %get3A_7 = arith.constant 0 : index
    %get3A_8 = arith.constant 0 : index
    %get3A_9 = vector.load %arg3[%get3A_6, %get3A_7, %get3A_8] : memref<1x1000x64xf32, #tpu.memory_space<vmem>>, vector<1x1000x64xf32>
    %get3A_10 = vector.shape_cast %get3A_9 : vector<1x1000x64xf32> to vector<1000x64xf32>
    %get3A_11 = arith.constant 0 : index
    %get3A_12 = arith.constant 0 : index
    %get3A_13 = arith.constant 0 : index
    %get3A_14 = vector.load %arg4[%get3A_11, %get3A_12, %get3A_13] : memref<1x1000x64xf32, #tpu.memory_space<vmem>>, vector<1x1000x64xf32>
    %get3A_15 = vector.shape_cast %get3A_14 : vector<1x1000x64xf32> to vector<1000x64xf32>
    %concatenate3A = tpu.concatenate %get3A_10, %get3A_15 in 1 : vector<1000x64xf32>, vector<1000x64xf32> -> vector<1000x128xf32>
    %add3A = arith.addf %dot_general3A_5, %concatenate3A : vector<1000x128xf32>
    %reduce_sum3A = arith.constant dense<0.000000e+00> : vector<1000xf32>
    %reduce_sum3A_16 = vector.multi_reduction <add>, %add3A, %reduce_sum3A [1] : vector<1000x128xf32> to vector<1000xf32>
    %broadcast_in_dim3A = vector.shape_cast %reduce_sum3A_16 : vector<1000xf32> to vector<1000x1xf32>
    %div3A = arith.constant 1.280000e+02 : f32
    %div3A_17 = vector.broadcast %div3A : f32 to vector<1000x1xf32>
    %div3A_18 = arith.divf %broadcast_in_dim3A, %div3A_17 : vector<1000x1xf32>
    %sub3A = vector.broadcast %div3A_18 : vector<1000x1xf32> to vector<1000x128xf32>
    %sub3A_19 = arith.subf %add3A, %sub3A : vector<1000x128xf32>
    %mul3A = arith.mulf %sub3A_19, %sub3A_19 : vector<1000x128xf32>
    %reduce_sum3A_20 = arith.constant dense<0.000000e+00> : vector<1000xf32>
    %reduce_sum3A_21 = vector.multi_reduction <add>, %mul3A, %reduce_sum3A_20 [1] : vector<1000x128xf32> to vector<1000xf32>
    %broadcast_in_dim3A_22 = vector.shape_cast %reduce_sum3A_21 : vector<1000xf32> to vector<1000x1xf32>
    %div3A_23 = arith.constant 1.280000e+02 : f32
    %div3A_24 = vector.broadcast %div3A_23 : f32 to vector<1000x1xf32>
    %div3A_25 = arith.divf %broadcast_in_dim3A_22, %div3A_24 : vector<1000x1xf32>
    %add3A_26 = arith.constant 9.99999974E-6 : f32
    %add3A_27 = vector.broadcast %add3A_26 : f32 to vector<1000x1xf32>
    %add3A_28 = arith.addf %div3A_25, %add3A_27 : vector<1000x1xf32>
    %rsqrt3A = math.rsqrt %add3A_28 : vector<1000x1xf32>
    %mul3A_29 = vector.broadcast %rsqrt3A : vector<1000x1xf32> to vector<1000x128xf32>
    %mul3A_30 = arith.mulf %sub3A_19, %mul3A_29 : vector<1000x128xf32>
    %swap3A = arith.constant 0 : index
    %swap3A_31 = arith.constant 0 : index
    %swap3A_32 = vector.load %arg5[%swap3A, %swap3A_31] : memref<1000x128xf32, #tpu.memory_space<vmem>>, vector<1000x128xf32>
    tpu.vector_store %arg5[%swap3A, %swap3A_31], %mul3A_30 {strides = array<i32>} : memref<1000x128xf32, #tpu.memory_space<vmem>>, vector<1000x128xf32>,
    return
  }
  func.func @transform_0(%arg0: i32) -> (i32, i32) {
    %c0_i32 = arith.constant 0 : i32
    %c0_i32_0 = arith.constant 0 : i32
    return %arg0, %c0_i32 : i32, i32
  }
  func.func @transform_1(%arg0: i32) -> (i32, i32) {
    %c0_i32 = arith.constant 0 : i32
    %c0_i32_0 = arith.constant 0 : i32
    %c0_i32_1 = arith.constant 0 : i32
    return %c0_i32, %c0_i32_0 : i32, i32
  }
  func.func @transform_2(%arg0: i32) -> (i32, i32, i32) {
    %c0_i32 = arith.constant 0 : i32
    %c0_i32_0 = arith.constant 0 : i32
    %c0_i32_1 = arith.constant 0 : i32
    return %c0_i32, %arg0, %c0_i32_0 : i32, i32, i32
  }
  func.func @transform_3(%arg0: i32) -> (i32, i32, i32) {
    %c1_i32 = arith.constant 1 : i32
    %c0_i32 = arith.constant 0 : i32
    %c0_i32_0 = arith.constant 0 : i32
    return %c1_i32, %arg0, %c0_i32 : i32, i32, i32
  }
  func.func @transform_4(%arg0: i32) -> (i32, i32) {
    %c0_i32 = arith.constant 0 : i32
    %c0_i32_0 = arith.constant 0 : i32
    return %arg0, %c0_i32 : i32, i32
  }
}

</mosaic_0001>

<sc_bundles>
// kernel: kernel.4.cloned.1.call-start
scs
__scs_entry_jumppad:
0x0: {  	(pc) =	sbr.rel $0x88, $3  }
0x1: {  	(tag) =	ssettag $0x0;
	lr =	simm.s32 $0x1  }
0x2: {  	[smem:$0x3F9E] =	sst lr;
	_ =	strace $0xD0000000  }
0x3: {  	_ = 	snop  }
0x4: {  	_ = 	snop  }
0x5: {  	_ = 	snop  }
0x6: {  	_ = 	snop  }
0x7: {  	_ = 	snop  }
__scs_overlays_trampoline_lowered:
0x8: {  	[smem:$0x3FAD] =	sst s0  }
0x9: {  	[smem:$0x3FAE] =	sst s1  }
0xa: {  	[smem:$0x3FAF] =	sst s2  }
0xb: {  	[smem:$0x3FB0] =	sst s3  }
0xc: {  	[smem:$0x3FB1] =	sst s4  }
0xd: {  	[smem:$0x3FB2] =	sst s5  }
0xe: {  	[smem:$0x3FB3] =	sst s6  }
0xf: {  	[smem:$0x3FB4] =	sst s7  }
0x10: {  	[smem:$0x3FB5] =	sst s8  }
0x11: {  	[smem:$0x3FB6] =	sst s9;
	s0 =	simm.s32 @!p0 $0x0  }
0x12: {  	s1 =	sld [smem:$0x3F9C];
	s0 =	simm.s32 @p0 $0x1  }
0x13: {  	[smem:$0x3FB7] =	sst s0;
	s0 =	simm.s32 @!p1 $0x0  }
0x14: {  	s2 =	sld [smem:$0x3F9B];
	s0 =	simm.s32 @p1 $0x1  }
0x15: {  	[smem:$0x3FB8] =	sst s0;
	s0 =	simm.s32 @!p2 $0x0  }
0x16: {  	s3 =	sld [smem:$0x3FDB];
	s0 =	simm.s32 @p2 $0x1  }
0x17: {  	s4 =	simm.s32 $0x1BF5;
	[smem:$0x3FBA] =	sst s0  }
0x18: {  	s0 =	sld [smem:$0x3F9D];
	_ =	swait.ge [sflag:s4], $0x0  }
0x19: {  	s7 =	sld [smem:$0x3F9E]  }
0x1a: {  	s8 =	sadd.s32 $0xFFFFE003, lr  }
0x1b: {  	s9 =	sadd.s32 $0xFFFFFEF7, lr;
	s5 =	simm.s32 $0xFFFFFFFF;
	p2 =	slt.u32 s8, $0xFFFFF086  }
0x1c: {  	p1 =	slt.u32 s9, $0xF7A;
	s5 =	simm.s32 @!p2 $0x0  }
0x1d: {  	s5 =	simm.s32 @p1 $0x1;
	p0 =	seq.s32 s7, s2  }
0x1e: {  	s7 =	smul.u32 @!p0 $0xF7A, s2;
	p2 =	seq.s32 @!p0 s5, $0x0  }
0x1f: {  	s9 =	smul.u32 $0xF7A, s1;
	s8 =	simm.s32 @!p0 $0x1BF5;
	p2 =	por !p2, p0  }
0x20: {  	[sflag:s8] =	ssyncset.s32 @!p0 $0xFFFFF086;
	s6 =	sadd.s32 @!p0 s3, s7;
	s7 =	simm.s32 @!p0 $0x108  }
0x21: {  	s3 =	sadd.s32 s3, s9;
	s6 =	sadd.s32 @!p0 $0x88, s6;
	s7 =	simm.s32 @p2 $0x1082  }
0x22: {  	[simem:s7], [sflag:s8] =	dma.local @!p0 [hbm:s6], $0xF7A  }
0x23: {  	s9 =	sor.u32 $0xD0000000, s2;
	s6 =	simm.s32 $0x108;
	_ =	swait.ge @!p0 [sflag:s8], $0x0  }
0x24: {  	s3 =	sadd.s32 $0x88, s3;
	s6 =	simm.s32 @!p1 $0x1082;
	[sflag:s4] =	ssyncset.s32 $0xFFFFF086  }
0x25: {  	[simem:s6], [sflag:s4] =	dma.local [hbm:s3], $0xF7A  }
0x26: {  	[smem:$0x3F9E] =	sst s1;
	(tag) =	ssettag s2;
	_ =	strace s9  }
0x27: {  	s1 =	sld [smem:$0x3FAE]  }
0x28: {  	s2 =	sld [smem:$0x3FAF]  }
0x29: {  	s4 =	sld [smem:$0x3FB1]  }
0x2a: {  	p0 =	seq.s32 s5, $0x0;
	s5 =	sld [smem:$0x3FB2]  }
0x2b: {  	s6 =	sld [smem:$0x3FB3]  }
0x2c: {  	s7 =	sld [smem:$0x3FB4]  }
0x2d: {  	s3 =	simm.s32 $0x108;
	s8 =	sld [smem:$0x3FB5]  }
0x2e: {  	s3 =	simm.s32 @!p0 $0x1082;
	s9 =	sld [smem:$0x3FB6]  }
0x2f: {  	lr =	sadd.s32 s0, s3;
	s0 =	sld [smem:$0x3FAD]  }
0x30: {  	s3 =	sld [smem:$0x3FB0]  }
0x31: {  	[smem:$0x3FB9] =	sst s10  }
0x32: {  	s10 =	sld [smem:$0x3FB7];
	_ =	sdelay $0x3  }
0x33: {  	p0 =	seq.s32 s10, $0x1;
	s10 =	sld [smem:$0x3FB9];
	_ =	sdelay $0x3  }
0x34: {  	[smem:$0x3FB9] =	sst s10  }
0x35: {  	s10 =	sld [smem:$0x3FB8];
	_ =	sdelay $0x3  }
0x36: {  	p1 =	seq.s32 s10, $0x1;
	s10 =	sld [smem:$0x3FB9];
	_ =	sdelay $0x3  }
0x37: {  	[smem:$0x3FB9] =	sst s10  }
0x38: {  	s10 =	sld [smem:$0x3FBA]  }
0x39: {  	_ = 	snop;
	(pc) =	sbr.ind lr, $3  }
0x3a: {  	_ = 	snop  }
0x3b: {  	_ = 	snop  }
0x3c: {  	p2 =	seq.s32 s10, $0x1;
	s10 =	sld [smem:$0x3FB9]  }
0x3d: {  	_ =	shalt  }
0x3e: {  	_ =	shalt  }
0x3f: {  	_ =	shalt  }
0x40: {  	_ =	shalt  }
0x41: {  	_ =	shalt  }
0x42: {  	_ =	shalt  }
0x43: {  	_ =	shalt  }
0x44: {  	_ =	shalt  }
0x45: {  	_ =	shalt  }
0x46: {  	_ =	shalt  }
0x47: {  	_ =	shalt  }
0x48: {  	_ =	shalt  }
0x49: {  	_ =	shalt  }
0x4a: {  	_ =	shalt  }
0x4b: {  	_ =	shalt  }
0x4c: {  	_ =	shalt  }
0x4d: {  	_ =	shalt  }
0x4e: {  	_ =	shalt  }
0x4f: {  	_ =	shalt  }
0x50: {  	_ =	shalt  }
0x51: {  	_ =	shalt  }
0x52: {  	_ =	shalt  }
0x53: {  	_ =	shalt  }
0x54: {  	_ =	shalt  }
0x55: {  	_ =	shalt  }
0x56: {  	_ =	shalt  }
0x57: {  	_ =	shalt  }
0x58: {  	_ =	shalt  }
0x59: {  	_ =	shalt  }
0x5a: {  	_ =	shalt  }
0x5b: {  	_ =	shalt  }
0x5c: {  	_ =	shalt  }
0x5d: {  	_ =	shalt  }
0x5e: {  	_ =	shalt  }
0x5f: {  	_ =	shalt  }
0x60: {  	_ =	shalt  }
0x61: {  	_ =	shalt  }
0x62: {  	_ =	shalt  }
0x63: {  	_ =	shalt  }
0x64: {  	_ =	shalt  }
0x65: {  	_ =	shalt  }
0x66: {  	_ =	shalt  }
0x67: {  	_ =	shalt  }
0x68: {  	_ =	shalt  }
0x69: {  	_ =	shalt  }
0x6a: {  	_ =	shalt  }
0x6b: {  	_ =	shalt  }
0x6c: {  	_ =	shalt  }
0x6d: {  	_ =	shalt  }
0x6e: {  	_ =	shalt  }
0x6f: {  	_ =	shalt  }
0x70: {  	_ =	shalt  }
0x71: {  	_ =	shalt  }
0x72: {  	_ =	shalt  }
0x73: {  	_ =	shalt  }
0x74: {  	_ =	shalt  }
0x75: {  	_ =	shalt  }
0x76: {  	_ =	shalt  }
0x77: {  	_ =	shalt  }
0x78: {  	_ =	shalt  }
0x79: {  	_ =	shalt  }
0x7a: {  	_ =	shalt  }
0x7b: {  	_ =	shalt  }
0x7c: {  	_ =	shalt  }
0x7d: {  	_ =	shalt  }
0x7e: {  	_ =	shalt  }
0x7f: {  	_ =	shalt  }
0x80: {  	_ =	shalt  }
0x81: {  	_ =	shalt  }
0x82: {  	_ =	shalt  }
0x83: {  	_ =	shalt  }
0x84: {  	_ =	shalt  }
0x85: {  	_ =	shalt  }
0x86: {  	_ =	shalt  }
0x87: {  	_ =	shalt  }
.Lfunc_end0:
.L_simem_size_0:
called_computation_lowered:
.L_overlay_start_0:
0x88: {  	s2 =	sld [smem:$0x3FD9]  }
0x89: {  	s3 =	sld [smem:$0x3FFE];
	_ =	sdelay $0x1  }
0x8a: {  	s1 =	srdreg.scid  }
0x8b: {  	s0 =	sand.u32 $0x1, s1  }
0x8c: {  	s17 =	sshll.u32 s0, $0xA;
	s2 =	sadd.s32 s3, s2  }
0x8d: {  	s2 =	sadd.s32 s2, s17  }
0x8e: {  	[smem:$0x3FC5] =	sst s2  }
0x8f: {  	_ = 	snop  }
0x90: {  	s2 =	sld [smem:$0x3FD0];
	(tm) =	ssettm $0x1  }
0x91: {  	s18 =	sld [smem:$0x3FFB];
	_ =	sdelay $0x3  }
0x92: {  	_ =	strace s18  }
0x93: {  	s3 =	sld [smem:$0x3FFC];
	_ =	sdelay $0x3  }
0x94: {  	_ =	strace s3  }
0x95: {  	s3 =	sld [smem:$0x3FFD];
	_ =	sdelay $0x3  }
0x96: {  	_ =	strace s3  }
0x97: {  	_ =	strace $0x8FFFFFFF  }
0x98: {  	s19 =	sld [smem:$0x3FDB];
	_ =	sdelay $0x1  }
0x99: {  	s4 =	simm.s32 $_scs_section_size  }
0x9a: {  	s5 =	simm.s32 $_size__tile_overlayer_lowered;
	s6 =	simm.s32 $_tile_overlayer_lowered  }
0x9b: {  	s22 =	simm.s32 $0x1BFF;
	s21 =	sshll.u32 s6, $0x1;
	s3 =	sadd.s32 s4, s19  }
0x9c: {  	s7 =	simm.s32 $0x0;
	s20 =	sshll.u32 s5, $0x1;
	s5 =	sadd.s32 s21, s3  }
0x9d: {  	[timem:s7], [sflag:s22] =	dma.local [hbm:s5], s20  }
0x9e: {  	_ =	swait.ge [sflag:s22], s20  }
0x9f: {  	s4 =	ssub.s32 $0x0, s20;
	[sflag:s22] =	ssyncset.done $0x0  }
0xa0: {  	[sflag:s22] =	ssyncadd.s32 s4;
	_ =	sdelay $0x1  }
0xa1: {  	s23 =	simm.s32 $0x1B8B  }
0xa2: {  	_ =	swait.ge [sflag:s23], $0x1  }
0xa3: {  	[sflag:s23] =	ssyncset.done $0x0  }
0xa4: {  	s25 =	simm.s32 $0x1B8E;
	s24 =	sld [smem:$0x3FFE];
	[sflag:s23] =	ssyncadd.s32 $0xFFFFFFFF  }
0xa5: {  	s26 =	simm.s32 $execute0_lowered;
	[smem:$0x3FD2] =	sst s25  }
0xa6: {  	s5 =	sshll.u32 s26, $0x1;
	_ =	strace $0x80000046;
	[dreg:$0x1] =	wrdreg $0xFFFFFFFF  }
0xa7: {  	s28 =	simm.s32 $_size_execute0_lowered;
	s3 =	sadd.s32 s3, s5;
	[dreg:$0x0] =	wrdreg $0x0  }
0xa8: {  	s5 =	sshll.u32 s28, $0x1;
	[dreg:$0x2] =	wrdreg s3  }
0xa9: {  	[dreg:$0x3] =	wrdreg s5  }
0xaa: {  	[dreg:$0x4] =	wrdreg $0xC0  }
0xab: {  	_ =	task [dreg:s7], $0x5FFFF  }
0xac: {  	[dreg:$0x1] =	wrdreg $0xFFFFFFFF  }
0xad: {  	[dreg:$0x0] =	wrdreg $0x60  }
0xae: {  	[dreg:$0x2] =	wrdreg s2  }
0xaf: {  	[dreg:$0x3] =	wrdreg s24  }
0xb0: {  	[dreg:$0x4] =	wrdreg $0xE0000  }
0xb1: {  	[dreg:$0x5] =	wrdreg $0x9  }
0xb2: {  	_ =	task.clear_ibuf [dreg:s7], $0x6FFFF;
	_ =	strace $0x90000046  }
0xb3: {  	s29 =	simm.s32 $0x9;
	_ =	strace $0x80000048  }
0xb4: {  	_ =	swait.ge [sflag:s29], $0x1  }
0xb5: {  	[sflag:s29] =	ssyncadd.s32 $0xFFFFFFFF  }
0xb6: {  	_ =	strace $0x90000048  }
0xb7: {  	_ =	sfence  }
0xb8: {  	s30 =	sld [smem:$0x0];
	_ =	sdelay $0x2  }
0xb9: {  	s31 =	sshll.u32 s1, $0xD;
	s1 =	sshrl.u32 s1, $0x2  }
0xba: {  	s3 =	sand.u32 $0x4000, s31;
	s1 =	sadd.s32 s1, s30  }
0xbb: {  	s0 =	sor.u32 s3, s0;
	s1 =	sshll.u32 s1, $0x11  }
0xbc: {  	s0 =	sor.u32 s1, s0  }
0xbd: {  	s0 =	sadd.s32 $0x8F2B, s0  }
0xbe: {  	[sflag:s0] =	ssyncadd.remote.s32 $0x1  }
0xbf: {  	_ =	sfence.sel $0xFFFF  }
0xc0: {  	[dreg:$0x0] =	wrdreg $0xFFFFFFFF;
	(pc) =	sbr.abs _section_cstart, $3  }
0xc1: {  	[dreg:$0x1] =	wrdreg $0xFFFFFFFF  }
0xc2: {  	_ =	task.clear_ibuf [dreg:s7], $0x2FFFF;
	_ =	strace $0x9FFFFFFF  }
0xc3: {  	(tm) =	ssettm $0x7FFFFFFF  }
tec
execute0_lowered:
.L_overlay_start_1:
0x0: {  	(tag) =	ssettag $0x1  }
0x1: {  	s8 =	rddreg [dreg:$0x0]  }
0x2: {  	s7 =	rddreg [dreg:$0x1]  }
0x3: {  	s2 =	rddreg [dreg:$0x2]  }
0x4: {  	s0 =	rddreg [dreg:$0x3];
	s3 =	simm.s32 $0x0;
	s1 =	stileid.u32  }
0x5: {  	s5 =	srdreg.scid;
	s18 =	simm.s32 $0xA000;
	s19 =	simm.s32 $0xC000  }
0x6: {  	s20 =	simm.s32 $0x1;
	s21 =	simm.s32 $0x2;
	s4 =	smul.u32 $0xA00, s1  }
0x7: {  	s22 =	simm.s32 $0x0;
	[smem:$0x7FF] =	sst s3;
	s9 =	smul.u32 $0x9E00, s1  }
0x8: {  	s10 =	sand.u32 $0x1, s5;
	s12 =	sadd.s32 $0x28600, s7;
	s15 =	sadd.s32 $0x94200, s2  }
0x9: {  	p0 =	seq.s32 s1, $0xF;
	_ =	strace $0x80000047;
	s14 =	smul.u32 $0x9C400, s10  }
0xa: {  	s6 =	ssub.s32 $0x2, s10;
	s10 =	smul.u32 $0x13880, s10;
	s17 =	sshll.u32 @!p0 s1, $0x6  }
0xb: {  	s26 =	sadd.s32 s4, s7;
	s28 =	sshrl.u32 s9, $0x3;
	s29 =	sshrl.u32 s6, $0x1  }
0xc: {  	s16 =	sadd.s32 s9, s2;
	s11 =	sadd.s32 s28, s7;
	s13 =	ssub.s32 s6, s29  }
0xd: {  	s4 =	sadd.s32 $0xC00, s26;
	s5 =	sadd.s32 $0xAC00, s26;
	s9 =	sadd.s32 s9, s14  }
0xe: {  	s7 =	sadd.s32 $0x27440, s7;
	s30 =	sshrl.u32 s14, $0x3;
	s8 =	sadd.s32 s8, s10  }
0xf: {  	s14 =	sshrl.u32 @p0 s15, $0x3;
	s15 =	sor.u32 @!p0 $0x1C03, s17;
	s16 =	sshrl.u32 @!p0 s16, $0x3  }
0x10: {  	s17 =	simm.s32 $0x80;
	s6 =	sadd.s32 $0x14C00, s11;
	s9 =	sshrl.u32 s9, $0x3  }
0x11: {  	s31 =	sadd.s32 s12, s30;
	s11 =	smax.u32 s13, $0x1;
	s13 =	simm.s32 $0x5000  }
0x12: {  	s9 =	sadd.s32 s12, s9;
	s10 =	sadd.s32 $0x12840, s31;
	s12 =	simm.s32 $0x3  }
.LBB2_1:
0x13: {  	[tilespmem:s3], [sflag:$0x3] =	stream.linear.gather [hbm4b:s4+s3], $0x5000, $0x38;
	[tilespmem:$0x17C80] =	vst v63  }
0x14: {  	_ =	swait.ge [sflag:s12], $0x5000  }
0x15: {  	[sflag:s12] =	ssyncset.done $0x0  }
0x16: {  	[sflag:s12] =	ssyncadd.s32 $0xFFFFB000  }
0x17: {  	[tilespmem:s13], [sflag:$0x3] =	stream.linear.gather [hbm4b:s5+s3], $0x5000, $0x38;
	[tilespmem:$0x17C80] =	vst v63  }
0x18: {  	_ =	swait.ge [sflag:s12], $0x5000  }
0x19: {  	[sflag:s12] =	ssyncset.done $0x0  }
0x1a: {  	s23 =	simm.s32 @p0 $0x1FC3;
	[sflag:s12] =	ssyncadd.s32 $0xFFFFB000  }
0x1b: {  	[spmem:s14], [sflag:s23] =	dma.local @p0 [hbm:s7], $0x10C0  }
0x1c: {  	s23 =	simm.s32 @p0 $0x3  }
0x1d: {  	_ =	swait.ge @p0 [sflag:s23], $0x10C0  }
0x1e: {  	[sflag:s23] =	ssyncset.done @p0 $0x0  }
0x1f: {  	[sflag:s23] =	ssyncadd.s32 @p0 $0xFFFFEF40;
	s23 =	simm.s32 @!p0 $0x3  }
0x20: {  	[spmem:s16], [sflag:s15] =	dma.local @!p0 [hbm:s6], $0x13C0  }
0x21: {  	_ =	swait.ge @!p0 [sflag:s23], $0x13C0  }
0x22: {  	[sflag:s23] =	ssyncset.done @!p0 $0x0  }
0x23: {  	[sflag:s23] =	ssyncadd.s32 @!p0 $0xFFFFEC40  }
0x24: {  	s28 =	simm.s32 $0x0;
	[bflag:$0x0] =	sbarrier.arrive $0xFFFF  }
0x25: {  	[tilespmem:s18], [sflag:$0x1] =	stream.indirect.gather [hbm4b:s8+s17], $0x40, s28, s17, $0xb8;
	[tilespmem:$0x17C80] =	vst v63  }
0x26: {  	s29 =	simm.s32 $0x80  }
0x27: {  	[tilespmem:s19], [sflag:$0x2] =	stream.indirect.gather [hbm4b:s8+s17], $0x40, s29, s17, $0xb8;
	[tilespmem:$0x17C80] =	vst v63  }
0x28: {  	_ =	swait.ge [sflag:s20], $0x2000  }
0x29: {  	[sflag:s20] =	ssyncset.done $0x0  }
0x2a: {  	s30 =	simm.s32 $0x5000;
	[sflag:s20] =	ssyncadd.s32 $0xFFFFE000  }
0x2b: {  	[spmem:s2] =	stream.indirect.scatter.add.f32 [tilespmem:s18], [sflag:$0x3], $0x40, s30, s17, $0xb8;
	[tilespmem:$0x17C80] =	vst v63  }
0x2c: {  	_ =	swait.ge [sflag:s12], $0x2000  }
0x2d: {  	[sflag:s12] =	ssyncset.done $0x0  }
0x2e: {  	[sflag:s12] =	ssyncadd.s32 $0xFFFFE000  }
0x2f: {  	_ =	swait.ge [sflag:s21], $0x2000  }
0x30: {  	[sflag:s21] =	ssyncset.done $0x0  }
0x31: {  	s31 =	simm.s32 $0x5080;
	[sflag:s21] =	ssyncadd.s32 $0xFFFFE000  }
0x32: {  	[spmem:s2] =	stream.indirect.scatter.add.f32 [tilespmem:s19], [sflag:$0x3], $0x40, s31, s17, $0xb8;
	[tilespmem:$0x17C80] =	vst v63  }
0x33: {  	_ =	swait.ge [sflag:s12], $0x2000  }
0x34: {  	s24 =	simm.s32 $0x800;
	s23 =	simm.s32 $0x400;
	[sflag:s12] =	ssyncset.done $0x0  }
.LBB2_2:
0x35: {  	s25 =	sshra.s32 s23, $0x2  }
0x36: {  	[sflag:s12] =	ssyncadd.s32 $0xFFFFE000;
	s23 =	smov.u32 s24;
	s26 =	sadd.s32 $0x400, s24  }
0x37: {  	[tilespmem:s18], [sflag:$0x1] =	stream.indirect.gather [hbm4b:s8+s17], $0x40, s25, s17, $0xb8;
	[tilespmem:$0x17C80] =	vst v63  }
0x38: {  	p1 =	sne.s32 s24, $0x13C00;
	s24 =	sadd.s32 $0x80, s25  }
0x39: {  	[tilespmem:s19], [sflag:$0x2] =	stream.indirect.gather [hbm4b:s8+s17], $0x40, s24, s17, $0xb8;
	[tilespmem:$0x17C80] =	vst v63  }
0x3a: {  	_ =	swait.ge [sflag:s20], $0x2000  }
0x3b: {  	[sflag:s20] =	ssyncset.done $0x0  }
0x3c: {  	s24 =	sadd.s32 $0x5000, s25;
	[sflag:s20] =	ssyncadd.s32 $0xFFFFE000  }
0x3d: {  	[spmem:s2] =	stream.indirect.scatter.add.f32 [tilespmem:s18], [sflag:$0x3], $0x40, s24, s17, $0xb8;
	[tilespmem:$0x17C80] =	vst v63  }
0x3e: {  	_ =	swait.ge [sflag:s12], $0x2000  }
0x3f: {  	[sflag:s12] =	ssyncset.done $0x0  }
0x40: {  	[sflag:s12] =	ssyncadd.s32 $0xFFFFE000  }
0x41: {  	_ =	swait.ge [sflag:s21], $0x2000  }
.Ltmp0:
0x42: {  	[sflag:s21] =	ssyncset.done $0x0;
	(pc) =	sbr.rel @p1 .LBB2_2-.Ltmp0, $4  }
0x43: {  	s24 =	sadd.s32 $0x5080, s25;
	[sflag:s21] =	ssyncadd.s32 $0xFFFFE000  }
0x44: {  	[spmem:s2] =	stream.indirect.scatter.add.f32 [tilespmem:s19], [sflag:$0x3], $0x40, s24, s17, $0xb8;
	[tilespmem:$0x17C80] =	vst v63  }
0x45: {  	_ =	swait.ge [sflag:s12], $0x2000  }
0x46: {  	s24 =	smov.u32 s26;
	[sflag:s12] =	ssyncset.done $0x0  }
0x47: {  	s23 =	sshra.s32 s23, $0x2;
	[sflag:s12] =	ssyncadd.s32 $0xFFFFE000  }
0x48: {  	[tilespmem:s18], [sflag:$0x1] =	stream.indirect.gather [hbm4b:s8+s17], $0x40, s23, s17, $0xb8;
	[tilespmem:$0x17C80] =	vst v63  }
0x49: {  	s24 =	sadd.s32 $0x80, s23  }
0x4a: {  	[tilespmem:s19], [sflag:$0x2] =	stream.indirect.gather [hbm4b:s8+s17], $0x40, s24, s17, $0xb8;
	[tilespmem:$0x17C80] =	vst v63  }
0x4b: {  	_ =	swait.ge [sflag:s20], $0x2000  }
0x4c: {  	[sflag:s20] =	ssyncset.done $0x0  }
0x4d: {  	s31 =	sadd.s32 $0x5000, s23;
	[sflag:s20] =	ssyncadd.s32 $0xFFFFE000  }
0x4e: {  	[spmem:s2] =	stream.indirect.scatter.add.f32 [tilespmem:s18], [sflag:$0x3], $0x40, s31, s17, $0xb8;
	[tilespmem:$0x17C80] =	vst v63  }
0x4f: {  	_ =	swait.ge [sflag:s12], $0x2000  }
0x50: {  	[sflag:s12] =	ssyncset.done $0x0  }
0x51: {  	[sflag:s12] =	ssyncadd.s32 $0xFFFFE000  }
0x52: {  	_ =	swait.ge [sflag:s21], $0x2000  }
0x53: {  	[sflag:s21] =	ssyncset.done $0x0  }
0x54: {  	s23 =	sadd.s32 $0x5080, s23;
	[sflag:s21] =	ssyncadd.s32 $0xFFFFE000  }
0x55: {  	[spmem:s2] =	stream.indirect.scatter.add.f32 [tilespmem:s19], [sflag:$0x3], $0x40, s23, s17, $0xb8;
	[tilespmem:$0x17C80] =	vst v63  }
0x56: {  	_ =	swait.ge [sflag:s12], $0x2000  }
0x57: {  	[sflag:s12] =	ssyncset.done $0x0  }
0x58: {  	[sflag:s12] =	ssyncadd.s32 $0xFFFFE000  }
0x59: {  	s23 =	simm.s32 @p0 $0x1FC3;
	[bflag:$0x0] =	sbarrier.arrive $0xFFFF  }
0x5a: {  	[hbm:s10], [sflag:s23] =	dma.local @p0 [spmem:s14], $0x1040  }
0x5b: {  	s23 =	simm.s32 @p0 $0x3  }
0x5c: {  	s22 =	sadd.s32 $0x1, s22;
	_ =	swait.ge @p0 [sflag:s23], $0x1040  }
0x5d: {  	p1 =	sne.s32 s22, s11;
	[sflag:s23] =	ssyncset.done @p0 $0x0  }
.Ltmp1:
0x5e: {  	[sflag:s23] =	ssyncadd.s32 @p0 $0xFFFFEFC0;
	s23 =	simm.s32 @!p0 $0x3;
	(pc) =	sbr.rel @p1 .LBB2_1-.Ltmp1, $4  }
0x5f: {  	[hbm:s9], [sflag:s15] =	dma.local @!p0 [spmem:s16], $0x13C0  }
0x60: {  	_ =	swait.ge @!p0 [sflag:s23], $0x13C0  }
0x61: {  	[sflag:s23] =	ssyncset.done @!p0 $0x0  }
0x62: {  	[sflag:s23] =	ssyncadd.s32 @!p0 $0xFFFFEC40  }
0x63: {  	_ =	sfence.sel $0x180000  }
0x64: {  	[bflag:$0x0] =	sbarrier.arrive $0xFFFF  }
0x65: {  	p0 =	sne.s32 s1, $0x0;
	_ =	strace $0x90000047  }
0x66: {  	s0 =	sadd.s32 @!p0 $0x100000, s0;
	[bflag:$0x2] =	sbarrier.arrive $0xFFFF  }
0x67: {  	[sflag:s0] =	ssyncadd.tile.s32 @!p0 $0x1;
	_ =	shalt  }
.Lfunc_end2:
_tile_overlayer_lowered:
.L_overlay_start_2:
0x68: {  	(tag) =	ssettag $0x2  }
0x69: {  	s0 =	rddreg [dreg:$0x0];
	s2 =	stileid.u32  }
0x6a: {  	s1 =	rddreg [dreg:$0x1];
	p0 =	sne.s32 s2, $0x0  }
0x6b: {  	s3 =	rddreg [dreg:$0x2];
	[bflag:$0x3] =	sbarrier.arrive $0xFFFF;
	s2 =	simm.s32 @!p0 $0x1C03  }
0x6c: {  	[timem:s3], [sflag:s2] =	dma.local @!p0 [hbm:s0], s1  }
0x6d: {  	s0 =	simm.s32 @!p0 $0x3  }
0x6e: {  	_ =	swait.ge @!p0 [sflag:s0], s1  }
0x6f: {  	s1 =	ssub.s32 @!p0 $0x0, s1;
	[sflag:s0] =	ssyncset.done @!p0 $0x0  }
0x70: {  	[sflag:s0] =	ssyncadd.s32 @!p0 s1  }
0x71: {  	[bflag:$0x3] =	sbarrier.arrive $0xFFFF  }
0x72: {  	_ =	shalt  }

</sc_bundles>
